<compile_context>
chip_gen: v7x
topology: tpu7x:2x2x1
jax: 0.10.2.dev20260603
libtpu: 0.0.44.dev20260713+nightly
codegen_flags: <defaults>
</compile_context>

<pallas_src>
import functools

import jax
import jax.numpy as jnp
from jax import lax
from jax.experimental import pallas as pl
from jax.experimental.pallas import tpu as pltpu
from jax.experimental.pallas import tpu_sc as plsc

_N = 10000
_E = 160000
_DIN = 256
_DOUT = 50
_DP = 64
_NC = 2
_NS = 16
_NW = _NC * _NS
_EPW = _E // _NW
_C = 125
_NCH = _EPW // _C
_NP = 10240
_RPT = _NP // _NS


def _ymat_body(x_ref, wl_ref, y_ref):
    xb = x_ref[...].astype(jnp.bfloat16)
    yv = lax.dot_general(xb, wl_ref[...].astype(jnp.bfloat16),
                         (((1,), (1,)), ((), ())),
                         preferred_element_type=jnp.float32)
    y_ref[...] = jnp.zeros_like(y_ref)
    y_ref[:, :_DOUT] = yv.astype(jnp.bfloat16)
    y_ref[:, _DOUT:_DOUT + 1] = jnp.ones((y_ref.shape[0], 1), jnp.bfloat16)


def _ymat(x, wl):
    blk = 5000
    grid = _N // blk
    return pl.pallas_call(
        _ymat_body,
        grid=(grid,),
        in_specs=[
            pl.BlockSpec((blk, _DIN), lambda i: (i, 0)),
            pl.BlockSpec((_DOUT, _DIN), lambda i: (0, 0)),
        ],
        out_specs=pl.BlockSpec((blk, _DP), lambda i: (i, 0)),
        out_shape=jax.ShapeDtypeStruct((_N, _DP), jnp.bfloat16),
    )(x, wl)


def _zmat_body(x_ref, wr_ref, b_ref, z_ref):
    xb = x_ref[...].astype(jnp.bfloat16)
    zv = lax.dot_general(xb, wr_ref[...].astype(jnp.bfloat16),
                         (((1,), (1,)), ((), ())),
                         preferred_element_type=jnp.float32)
    z_ref[...] = jnp.zeros_like(z_ref)
    z_ref[:, :_DOUT] = zv + b_ref[...][None, :]


def _zmat(x, wr, b):
    blk = 2000
    grid = _N // blk
    return pl.pallas_call(
        _zmat_body,
        grid=(grid,),
        in_specs=[
            pl.BlockSpec((blk, _DIN), lambda i: (i, 0)),
            pl.BlockSpec((_DOUT, _DIN), lambda i: (0, 0)),
            pl.BlockSpec((_DOUT,), lambda i: (0,)),
        ],
        out_specs=pl.BlockSpec((blk, _DP), lambda i: (i, 0)),
        out_shape=jax.ShapeDtypeStruct((_N, _DP), jnp.float32),
    )(x, wr, b)


def _sc_agg_body(y_hbm, ei_hbm, zero_hbm, out_hbm,
                 src_v, dst_v, rows0, rows1, y_sh, acc_sh, gsem0, gsem1):
    cid = lax.axis_index("c")
    sid = lax.axis_index("s")
    wid = cid * _NS + sid
    r0 = pl.multiple_of(sid * _RPT, 8)
    ys = _N // _NS
    pltpu.sync_copy(y_hbm.at[pl.ds(sid * ys, ys)], y_sh.at[pl.ds(sid * ys, ys)])
    pltpu.sync_copy(zero_hbm, acc_sh.at[pl.ds(r0, _RPT)])
    pltpu.sync_copy(ei_hbm.at[0, wid], src_v)
    pltpu.sync_copy(ei_hbm.at[1, wid], dst_v)
    plsc.subcore_barrier()

    def _gather(j, buf, sem):
        pltpu.async_copy(y_sh.at[src_v.at[j]], buf, sem)

    def _gwait(buf, sem):
        pltpu.make_async_copy(y_sh.at[src_v.at[0]], buf, sem).wait()

    def _scatter(j, buf):
        pltpu.sync_copy(buf, acc_sh.at[dst_v.at[j]], add=True)

    _gather(0, rows0, gsem0)

    @pl.loop(0, _NCH - 2, step=2)
    def _(j):
        _gather(j + 1, rows1, gsem1)
        _gwait(rows0, gsem0)
        _scatter(j, rows0)
        _gather(j + 2, rows0, gsem0)
        _gwait(rows1, gsem1)
        _scatter(j + 1, rows1)

    _gather(_NCH - 1, rows1, gsem1)
    _gwait(rows0, gsem0)
    _scatter(_NCH - 2, rows0)
    _gwait(rows1, gsem1)
    _scatter(_NCH - 1, rows1)

    plsc.subcore_barrier()
    pltpu.sync_copy(acc_sh.at[pl.ds(r0, _RPT)],
                    out_hbm.at[cid, pl.ds(r0, _RPT)])


@functools.lru_cache(maxsize=1)
def _sc_agg_fn():
    return pl.kernel(
        _sc_agg_body,
        out_type=jax.ShapeDtypeStruct((_NC, _NP, _DP), jnp.bfloat16),
        mesh=plsc.VectorSubcoreMesh(core_axis_name="c", subcore_axis_name="s",
                                    num_cores=_NC, num_subcores=_NS),
        compiler_params=pltpu.CompilerParams(use_tc_tiling_on_sc=False,
                                             disable_bounds_checks=True),
        scratch_types=(
            [pltpu.VMEM((_NCH, _C), jnp.int32)] * 2
            + [pltpu.VMEM((_C, _DP), jnp.bfloat16)] * 2
            + [pltpu.VMEM_SHARED((_N, _DP), jnp.bfloat16),
               pltpu.VMEM_SHARED((_NP, _DP), jnp.bfloat16)]
            + [pltpu.SemaphoreType.DMA] * 2
        ),
    )


def _finish_body(p_ref, z_ref, o_ref):
    agg = p_ref[0].astype(jnp.float32) + p_ref[1].astype(jnp.float32)
    cnt = agg[:, _DOUT:_DOUT + 1]
    mean = agg / jnp.maximum(cnt, 1.0)
    t = mean + z_ref[...]
    col = lax.broadcasted_iota(jnp.int32, t.shape, 1)
    t = jnp.where(col < _DOUT, t, 0.0)
    ss = jnp.sum(t * t, axis=1, keepdims=True)
    nrm = jnp.maximum(jnp.sqrt(ss), 1e-12)
    o_ref[...] = (t / nrm)[:, :_DOUT]


def _finish(partial, z):
    blk = 5000
    grid = _N // blk
    return pl.pallas_call(
        _finish_body,
        grid=(grid,),
        in_specs=[
            pl.BlockSpec((_NC, blk, _DP), lambda i: (0, i, 0)),
            pl.BlockSpec((blk, _DP), lambda i: (i, 0)),
        ],
        out_specs=pl.BlockSpec((blk, _DOUT), lambda i: (i, 0)),
        out_shape=jax.ShapeDtypeStruct((_N, _DOUT), jnp.float32),
    )(partial, z)


def kernel(x, edge_index, W_l, b_l, W_r):
    ei = edge_index.reshape(2, _NW, _NCH, _C)
    zeros = jnp.zeros((_RPT, _DP), jnp.bfloat16)

    y = _ymat(x, W_l)
    partial = _sc_agg_fn()(y, ei, zeros)
    z = _zmat(x, W_r, b_l)
    return _finish(partial, z)

# --- scband reference (transcript-rebuilt; emitter-appended) ---
"""Pipeline reference for scband-net-27169963114509 (READ-ONLY COPY).

The authoritative reference and input builder live on the scoring server;
editing this copy changes nothing except your own understanding.
"""

import jax, jax.numpy as jnp
import numpy as np

N = 10000
E = 160000
D_IN = 256
D_OUT = 50


def setup_inputs(seed: int = 0) -> dict:
    key = jax.random.key(seed)
    k1, k2, k3, k4, k5 = jax.random.split(key, 5)
    x = jax.random.normal(k1, (N, D_IN), dtype=jnp.float32)
    edge_index = jax.random.randint(k2, (2, E), 0, N)
    # SAGEConv parameters: lin_l (neighbor agg path, with bias), lin_r (root path, no bias)
    scale = 1.0 / np.sqrt(D_IN)
    W_l = jax.random.uniform(k3, (D_OUT, D_IN), dtype=jnp.float32, minval=-scale, maxval=scale)
    b_l = jax.random.uniform(k4, (D_OUT,), dtype=jnp.float32, minval=-scale, maxval=scale)
    W_r = jax.random.uniform(k5, (D_OUT, D_IN), dtype=jnp.float32, minval=-scale, maxval=scale)
    return {"x": x, "edge_index": edge_index, "W_l": W_l, "b_l": b_l, "W_r": W_r}


def reference(x, edge_index, W_l, b_l, W_r):
    # PyG SAGEConv(in, 50, normalize=True), aggr='mean', root_weight=True
    src = edge_index[0]
    dst = edge_index[1]
    # gather source-node features as messages
    msg = jnp.take(x, src, axis=0)
    # mean aggregation at destination nodes (scatter-add + count)
    agg_sum = jax.ops.segment_sum(msg, dst, num_segments=N)
    cnt = jax.ops.segment_sum(jnp.ones((E,), dtype=jnp.float32), dst, num_segments=N)
    agg_mean = agg_sum / jnp.maximum(cnt, 1.0)[:, None]
    # out = lin_l(mean_agg) + lin_r(x)
    out = agg_mean @ W_l.T + b_l + x @ W_r.T
    # normalize=True -> F.normalize(out, p=2, dim=-1)
    nrm = jnp.sqrt(jnp.sum(out * out, axis=-1, keepdims=True))
    out = out / jnp.maximum(nrm, 1e-12)
    return out

if __name__ == "__main__":
    import jax
    _d = setup_inputs()
    print(jax.jit(kernel)(*tuple(_d.values())))

</pallas_src>

<mosaic_0001>
#map = affine_map<(d0, d1) -> (0, 0)>
#map1 = affine_map<(d0, d1) -> (0, 0, 0, 0)>
#map2 = affine_map<(d0, d1) -> (0, 0, 0)>
module attributes {stable_mosaic.version = 14 : i64} {
  func.func @_sc_agg_body(%arg0: i32, %arg1: i32, %arg2: memref<10000x64xbf16, #tpu.memory_space<hbm>>, %arg3: memref<2x32x40x125xi32, #tpu.memory_space<hbm>>, %arg4: memref<640x64xbf16, #tpu.memory_space<hbm>>, %arg5: memref<2x10240x64xbf16, #tpu.memory_space<hbm>>, %arg6: memref<40x125xi32, #tpu.memory_space<vmem>>, %arg7: memref<40x125xi32, #tpu.memory_space<vmem>>, %arg8: memref<125x64xbf16, #tpu.memory_space<vmem>>, %arg9: memref<125x64xbf16, #tpu.memory_space<vmem>>, %arg10: memref<10000x64xbf16, #tpu.memory_space<vmem_shared>>, %arg11: memref<10240x64xbf16, #tpu.memory_space<vmem_shared>>, %arg12: memref<!tpu.dma_semaphore, #tpu.memory_space<semaphore_mem>>, %arg13: memref<!tpu.dma_semaphore, #tpu.memory_space<semaphore_mem>>) attributes {dimension_semantics = [#tpu.dimension_semantics<core_parallel>, #tpu.dimension_semantics<subcore_parallel>], iteration_bounds = array<i64: 2, 16>, scalar_prefetch = 0 : i64, scratch_operands = 8 : i64, tpu.core_type = #tpu.core_type<sc_vector_subcore>, window_params = [{transform_indices = #map}, {transform_indices = #map1}, {transform_indices = #map}, {transform_indices = #map2}]} {
    %mul3A = arith.constant 16 : i32
    %mul3A_0 = arith.muli %arg0, %mul3A : i32
    %add3A = arith.addi %mul3A_0, %arg1 : i32
    %mul3A_1 = arith.constant 640 : i32
    %mul3A_2 = arith.muli %arg1, %mul3A_1 : i32
    %multiple_of3A = tpu.assume_multiple %mul3A_2, 8 : i32
    %mul3A_3 = arith.constant 625 : i32
    %mul3A_4 = arith.muli %arg1, %mul3A_3 : i32
    %mul3A_5 = arith.constant 625 : i32
    %mul3A_6 = arith.muli %arg1, %mul3A_5 : i32
    "tpu.region"() ({
      %run_scoped3A_41 = tpu.sem_alloc : memref<!tpu.dma_semaphore, #tpu.memory_space<semaphore_mem>>
      %dma_start3A_42 = arith.constant 0 : i32
      %dma_start3A_43 = tpu.memref_slice %arg10[%mul3A_6, %dma_start3A_42] : memref<10000x64xbf16, #tpu.memory_space<vmem_shared>> -> memref<625x64xbf16, #tpu.memory_space<vmem_shared>>
      %dma_start3A_44 = arith.constant 0 : i32
      %dma_start3A_45 = tpu.memref_slice %arg2[%mul3A_4, %dma_start3A_44] : memref<10000x64xbf16, #tpu.memory_space<hbm>> -> memref<625x64xbf16, #tpu.memory_space<hbm>>
      tpu.enqueue_dma source(%dma_start3A_45 : memref<625x64xbf16, #tpu.memory_space<hbm>>) target(%dma_start3A_43 : memref<625x64xbf16, #tpu.memory_space<vmem_shared>>) target_semaphore(%run_scoped3A_41 : memref<!tpu.dma_semaphore, #tpu.memory_space<semaphore_mem>>)
      %dma_wait3A_46 = arith.constant 0 : i32
      %dma_wait3A_47 = tpu.memref_slice %arg10[%mul3A_6, %dma_wait3A_46] : memref<10000x64xbf16, #tpu.memory_space<vmem_shared>> -> memref<625x64xbf16, #tpu.memory_space<vmem_shared>>
      %dma_wait3A_48 = arith.constant 0 : i32
      %dma_wait3A_49 = tpu.memref_slice %arg2[%mul3A_4, %dma_wait3A_48] : memref<10000x64xbf16, #tpu.memory_space<hbm>> -> memref<625x64xbf16, #tpu.memory_space<hbm>>
      tpu.wait_dma2 semaphore(%run_scoped3A_41 : memref<!tpu.dma_semaphore, #tpu.memory_space<semaphore_mem>>) src(%dma_wait3A_49 : memref<625x64xbf16, #tpu.memory_space<hbm>>) dst(%dma_wait3A_47 : memref<625x64xbf16, #tpu.memory_space<vmem_shared>>)
      tpu.yield
    }) : () -> ()
    "tpu.region"() ({
      %run_scoped3A_41 = tpu.sem_alloc : memref<!tpu.dma_semaphore, #tpu.memory_space<semaphore_mem>>
      %dma_start3A_42 = arith.constant 0 : i32
      %dma_start3A_43 = tpu.memref_slice %arg11[%multiple_of3A, %dma_start3A_42] : memref<10240x64xbf16, #tpu.memory_space<vmem_shared>> -> memref<640x64xbf16, #tpu.memory_space<vmem_shared>>
      tpu.enqueue_dma source(%arg4 : memref<640x64xbf16, #tpu.memory_space<hbm>>) target(%dma_start3A_43 : memref<640x64xbf16, #tpu.memory_space<vmem_shared>>) target_semaphore(%run_scoped3A_41 : memref<!tpu.dma_semaphore, #tpu.memory_space<semaphore_mem>>)
      %dma_wait3A_44 = arith.constant 0 : i32
      %dma_wait3A_45 = tpu.memref_slice %arg11[%multiple_of3A, %dma_wait3A_44] : memref<10240x64xbf16, #tpu.memory_space<vmem_shared>> -> memref<640x64xbf16, #tpu.memory_space<vmem_shared>>
      tpu.wait_dma2 semaphore(%run_scoped3A_41 : memref<!tpu.dma_semaphore, #tpu.memory_space<semaphore_mem>>) src(%arg4 : memref<640x64xbf16, #tpu.memory_space<hbm>>) dst(%dma_wait3A_45 : memref<640x64xbf16, #tpu.memory_space<vmem_shared>>)
      tpu.yield
    }) : () -> ()
    %run_scoped3A = arith.constant 0 : i32
    "tpu.region"() ({
      %run_scoped3A_41 = tpu.sem_alloc : memref<!tpu.dma_semaphore, #tpu.memory_space<semaphore_mem>>
      %dma_start3A_42 = arith.constant 0 : i32
      %dma_start3A_43 = arith.constant 0 : i32
      %dma_start3A_44 = tpu.memref_slice %arg3[%run_scoped3A, %add3A, %dma_start3A_42, %dma_start3A_43] : memref<2x32x40x125xi32, #tpu.memory_space<hbm>> -> memref<1x1x40x125xi32, #tpu.memory_space<hbm>>
      %dma_start3A_45 = tpu.memref_squeeze %dma_start3A_44 : memref<1x1x40x125xi32, #tpu.memory_space<hbm>> -> memref<40x125xi32, #tpu.memory_space<hbm>>
      %dma_start3A_46 = arith.constant 0 : i32
      %dma_start3A_47 = arith.constant 0 : i32
      %dma_start3A_48 = tpu.memref_slice %arg3[%run_scoped3A, %add3A, %dma_start3A_46, %dma_start3A_47] : memref<2x32x40x125xi32, #tpu.memory_space<hbm>> -> memref<1x1x40x125xi32, #tpu.memory_space<hbm>>
      %dma_start3A_49 = tpu.memref_squeeze %dma_start3A_48 : memref<1x1x40x125xi32, #tpu.memory_space<hbm>> -> memref<40x125xi32, #tpu.memory_space<hbm>>
      tpu.enqueue_dma source(%dma_start3A_49 : memref<40x125xi32, #tpu.memory_space<hbm>>) target(%arg6 : memref<40x125xi32, #tpu.memory_space<vmem>>) target_semaphore(%run_scoped3A_41 : memref<!tpu.dma_semaphore, #tpu.memory_space<semaphore_mem>>)
      %dma_wait3A_50 = arith.constant 0 : i32
      %dma_wait3A_51 = arith.constant 0 : i32
      %dma_wait3A_52 = tpu.memref_slice %arg3[%run_scoped3A, %add3A, %dma_wait3A_50, %dma_wait3A_51] : memref<2x32x40x125xi32, #tpu.memory_space<hbm>> -> memref<1x1x40x125xi32, #tpu.memory_space<hbm>>
      %dma_wait3A_53 = tpu.memref_squeeze %dma_wait3A_52 : memref<1x1x40x125xi32, #tpu.memory_space<hbm>> -> memref<40x125xi32, #tpu.memory_space<hbm>>
      %dma_wait3A_54 = arith.constant 0 : i32
      %dma_wait3A_55 = arith.constant 0 : i32
      %dma_wait3A_56 = tpu.memref_slice %arg3[%run_scoped3A, %add3A, %dma_wait3A_54, %dma_wait3A_55] : memref<2x32x40x125xi32, #tpu.memory_space<hbm>> -> memref<1x1x40x125xi32, #tpu.memory_space<hbm>>
      %dma_wait3A_57 = tpu.memref_squeeze %dma_wait3A_56 : memref<1x1x40x125xi32, #tpu.memory_space<hbm>> -> memref<40x125xi32, #tpu.memory_space<hbm>>
      tpu.wait_dma2 semaphore(%run_scoped3A_41 : memref<!tpu.dma_semaphore, #tpu.memory_space<semaphore_mem>>) src(%dma_wait3A_57 : memref<40x125xi32, #tpu.memory_space<hbm>>) dst(%arg6 : memref<40x125xi32, #tpu.memory_space<vmem>>)
      tpu.yield
    }) : () -> ()
    %run_scoped3A_7 = arith.constant 1 : i32
    "tpu.region"() ({
      %run_scoped3A_41 = tpu.sem_alloc : memref<!tpu.dma_semaphore, #tpu.memory_space<semaphore_mem>>
      %dma_start3A_42 = arith.constant 0 : i32
      %dma_start3A_43 = arith.constant 0 : i32
      %dma_start3A_44 = tpu.memref_slice %arg3[%run_scoped3A_7, %add3A, %dma_start3A_42, %dma_start3A_43] : memref<2x32x40x125xi32, #tpu.memory_space<hbm>> -> memref<1x1x40x125xi32, #tpu.memory_space<hbm>>
      %dma_start3A_45 = tpu.memref_squeeze %dma_start3A_44 : memref<1x1x40x125xi32, #tpu.memory_space<hbm>> -> memref<40x125xi32, #tpu.memory_space<hbm>>
      %dma_start3A_46 = arith.constant 0 : i32
      %dma_start3A_47 = arith.constant 0 : i32
      %dma_start3A_48 = tpu.memref_slice %arg3[%run_scoped3A_7, %add3A, %dma_start3A_46, %dma_start3A_47] : memref<2x32x40x125xi32, #tpu.memory_space<hbm>> -> memref<1x1x40x125xi32, #tpu.memory_space<hbm>>
      %dma_start3A_49 = tpu.memref_squeeze %dma_start3A_48 : memref<1x1x40x125xi32, #tpu.memory_space<hbm>> -> memref<40x125xi32, #tpu.memory_space<hbm>>
      tpu.enqueue_dma source(%dma_start3A_49 : memref<40x125xi32, #tpu.memory_space<hbm>>) target(%arg7 : memref<40x125xi32, #tpu.memory_space<vmem>>) target_semaphore(%run_scoped3A_41 : memref<!tpu.dma_semaphore, #tpu.memory_space<semaphore_mem>>)
      %dma_wait3A_50 = arith.constant 0 : i32
      %dma_wait3A_51 = arith.constant 0 : i32
      %dma_wait3A_52 = tpu.memref_slice %arg3[%run_scoped3A_7, %add3A, %dma_wait3A_50, %dma_wait3A_51] : memref<2x32x40x125xi32, #tpu.memory_space<hbm>> -> memref<1x1x40x125xi32, #tpu.memory_space<hbm>>
      %dma_wait3A_53 = tpu.memref_squeeze %dma_wait3A_52 : memref<1x1x40x125xi32, #tpu.memory_space<hbm>> -> memref<40x125xi32, #tpu.memory_space<hbm>>
      %dma_wait3A_54 = arith.constant 0 : i32
      %dma_wait3A_55 = arith.constant 0 : i32
      %dma_wait3A_56 = tpu.memref_slice %arg3[%run_scoped3A_7, %add3A, %dma_wait3A_54, %dma_wait3A_55] : memref<2x32x40x125xi32, #tpu.memory_space<hbm>> -> memref<1x1x40x125xi32, #tpu.memory_space<hbm>>
      %dma_wait3A_57 = tpu.memref_squeeze %dma_wait3A_56 : memref<1x1x40x125xi32, #tpu.memory_space<hbm>> -> memref<40x125xi32, #tpu.memory_space<hbm>>
      tpu.wait_dma2 semaphore(%run_scoped3A_41 : memref<!tpu.dma_semaphore, #tpu.memory_space<semaphore_mem>>) src(%dma_wait3A_57 : memref<40x125xi32, #tpu.memory_space<hbm>>) dst(%arg7 : memref<40x125xi32, #tpu.memory_space<vmem>>)
      tpu.yield
    }) : () -> ()
    %barrier3A = arith.constant 0 : index
    tpu.barrier barrier_id(%barrier3A)
    %dma_start3A = arith.constant 0 : i32
    %dma_start3A_8 = arith.constant 0 : i32
    %dma_start3A_9 = tpu.memref_slice %arg6[%dma_start3A, %dma_start3A_8] : memref<40x125xi32, #tpu.memory_space<vmem>> -> memref<1x125xi32, #tpu.memory_space<vmem>>
    %dma_start3A_10 = tpu.memref_squeeze %dma_start3A_9 : memref<1x125xi32, #tpu.memory_space<vmem>> -> memref<125xi32, #tpu.memory_space<vmem>>
    %dma_start3A_11 = arith.constant 0 : i32
    %dma_start3A_12 = arith.constant 0 : i32
    %dma_start3A_13 = tpu.memref_slice %arg10[%dma_start3A_11, %dma_start3A_12] : memref<10000x64xbf16, #tpu.memory_space<vmem_shared>> -> memref<10000x64xbf16, #tpu.memory_space<vmem_shared>>
    tpu.enqueue_indirect_dma source(%dma_start3A_13 : memref<10000x64xbf16, #tpu.memory_space<vmem_shared>>) target(%arg8 : memref<125x64xbf16, #tpu.memory_space<vmem>>) offsets(%dma_start3A_10 : memref<125xi32, #tpu.memory_space<vmem>>) semaphore(%arg12 : memref<!tpu.dma_semaphore, #tpu.memory_space<semaphore_mem>>)
    %scan3A = arith.constant 0 : i32
    %scan3A_14 = arith.constant 19 : i32
    %scan3A_15 = arith.addi %scan3A, %scan3A_14 : i32
    %scan3A_16 = arith.constant 1 : i32
    scf.for %scan3A_41 = %scan3A to %scan3A_15 step %scan3A_16  : i32 {
      %mul3A_42 = arith.constant 2 : i32
      %mul3A_43 = arith.muli %scan3A_41, %mul3A_42 : i32
      %add3A_44 = arith.constant 0 : i32
      %add3A_45 = arith.addi %add3A_44, %mul3A_43 : i32
      %add3A_46 = arith.constant 1 : i32
      %add3A_47 = arith.addi %add3A_45, %add3A_46 : i32
      %dma_start3A_48 = arith.constant 0 : i32
      %dma_start3A_49 = tpu.memref_slice %arg6[%add3A_47, %dma_start3A_48] : memref<40x125xi32, #tpu.memory_space<vmem>> -> memref<1x125xi32, #tpu.memory_space<vmem>>
      %dma_start3A_50 = tpu.memref_squeeze %dma_start3A_49 : memref<1x125xi32, #tpu.memory_space<vmem>> -> memref<125xi32, #tpu.memory_space<vmem>>
      %dma_start3A_51 = arith.constant 0 : i32
      %dma_start3A_52 = arith.constant 0 : i32
      %dma_start3A_53 = tpu.memref_slice %arg10[%dma_start3A_51, %dma_start3A_52] : memref<10000x64xbf16, #tpu.memory_space<vmem_shared>> -> memref<10000x64xbf16, #tpu.memory_space<vmem_shared>>
      tpu.enqueue_indirect_dma source(%dma_start3A_53 : memref<10000x64xbf16, #tpu.memory_space<vmem_shared>>) target(%arg9 : memref<125x64xbf16, #tpu.memory_space<vmem>>) offsets(%dma_start3A_50 : memref<125xi32, #tpu.memory_space<vmem>>) semaphore(%arg13 : memref<!tpu.dma_semaphore, #tpu.memory_space<semaphore_mem>>)
      %dma_wait3A_54 = arith.constant 0 : i32
      %dma_wait3A_55 = arith.constant 0 : i32
      %dma_wait3A_56 = tpu.memref_slice %arg6[%dma_wait3A_54, %dma_wait3A_55] : memref<40x125xi32, #tpu.memory_space<vmem>> -> memref<1x125xi32, #tpu.memory_space<vmem>>
      %dma_wait3A_57 = tpu.memref_squeeze %dma_wait3A_56 : memref<1x125xi32, #tpu.memory_space<vmem>> -> memref<125xi32, #tpu.memory_space<vmem>>
      %dma_wait3A_58 = arith.constant 0 : i32
      %dma_wait3A_59 = arith.constant 0 : i32
      %dma_wait3A_60 = tpu.memref_slice %arg10[%dma_wait3A_58, %dma_wait3A_59] : memref<10000x64xbf16, #tpu.memory_space<vmem_shared>> -> memref<10000x64xbf16, #tpu.memory_space<vmem_shared>>
      tpu.wait_indirect_dma semaphore(%arg12 : memref<!tpu.dma_semaphore, #tpu.memory_space<semaphore_mem>>) src(%dma_wait3A_60 : memref<10000x64xbf16, #tpu.memory_space<vmem_shared>>) dst(%arg8 : memref<125x64xbf16, #tpu.memory_space<vmem>>)
      "tpu.region"() ({
        %run_scoped3A_78 = tpu.sem_alloc : memref<!tpu.dma_semaphore, #tpu.memory_space<semaphore_mem>>
        %dma_start3A_79 = arith.constant 0 : i32
        %dma_start3A_80 = tpu.memref_slice %arg7[%add3A_45, %dma_start3A_79] : memref<40x125xi32, #tpu.memory_space<vmem>> -> memref<1x125xi32, #tpu.memory_space<vmem>>
        %dma_start3A_81 = tpu.memref_squeeze %dma_start3A_80 : memref<1x125xi32, #tpu.memory_space<vmem>> -> memref<125xi32, #tpu.memory_space<vmem>>
        %dma_start3A_82 = arith.constant 0 : i32
        %dma_start3A_83 = arith.constant 0 : i32
        %dma_start3A_84 = tpu.memref_slice %arg11[%dma_start3A_82, %dma_start3A_83] : memref<10240x64xbf16, #tpu.memory_space<vmem_shared>> -> memref<10240x64xbf16, #tpu.memory_space<vmem_shared>>
        tpu.enqueue_indirect_dma source(%arg8 : memref<125x64xbf16, #tpu.memory_space<vmem>>) target(%dma_start3A_84 : memref<10240x64xbf16, #tpu.memory_space<vmem_shared>>) offsets(%dma_start3A_81 : memref<125xi32, #tpu.memory_space<vmem>>) semaphore(%run_scoped3A_78 : memref<!tpu.dma_semaphore, #tpu.memory_space<semaphore_mem>>) {add = true}
        %dma_wait3A_85 = arith.constant 0 : i32
        %dma_wait3A_86 = tpu.memref_slice %arg7[%add3A_45, %dma_wait3A_85] : memref<40x125xi32, #tpu.memory_space<vmem>> -> memref<1x125xi32, #tpu.memory_space<vmem>>
        %dma_wait3A_87 = tpu.memref_squeeze %dma_wait3A_86 : memref<1x125xi32, #tpu.memory_space<vmem>> -> memref<125xi32, #tpu.memory_space<vmem>>
        %dma_wait3A_88 = arith.constant 0 : i32
        %dma_wait3A_89 = arith.constant 0 : i32
        %dma_wait3A_90 = tpu.memref_slice %arg11[%dma_wait3A_88, %dma_wait3A_89] : memref<10240x64xbf16, #tpu.memory_space<vmem_shared>> -> memref<10240x64xbf16, #tpu.memory_space<vmem_shared>>
        tpu.wait_indirect_dma semaphore(%run_scoped3A_78 : memref<!tpu.dma_semaphore, #tpu.memory_space<semaphore_mem>>) src(%arg8 : memref<125x64xbf16, #tpu.memory_space<vmem>>) dst(%dma_wait3A_90 : memref<10240x64xbf16, #tpu.memory_space<vmem_shared>>)
        tpu.yield
      }) : () -> ()
      %add3A_61 = arith.constant 2 : i32
      %add3A_62 = arith.addi %add3A_45, %add3A_61 : i32
      %dma_start3A_63 = arith.constant 0 : i32
      %dma_start3A_64 = tpu.memref_slice %arg6[%add3A_62, %dma_start3A_63] : memref<40x125xi32, #tpu.memory_space<vmem>> -> memref<1x125xi32, #tpu.memory_space<vmem>>
      %dma_start3A_65 = tpu.memref_squeeze %dma_start3A_64 : memref<1x125xi32, #tpu.memory_space<vmem>> -> memref<125xi32, #tpu.memory_space<vmem>>
      %dma_start3A_66 = arith.constant 0 : i32
      %dma_start3A_67 = arith.constant 0 : i32
      %dma_start3A_68 = tpu.memref_slice %arg10[%dma_start3A_66, %dma_start3A_67] : memref<10000x64xbf16, #tpu.memory_space<vmem_shared>> -> memref<10000x64xbf16, #tpu.memory_space<vmem_shared>>
      tpu.enqueue_indirect_dma source(%dma_start3A_68 : memref<10000x64xbf16, #tpu.memory_space<vmem_shared>>) target(%arg8 : memref<125x64xbf16, #tpu.memory_space<vmem>>) offsets(%dma_start3A_65 : memref<125xi32, #tpu.memory_space<vmem>>) semaphore(%arg12 : memref<!tpu.dma_semaphore, #tpu.memory_space<semaphore_mem>>)
      %dma_wait3A_69 = arith.constant 0 : i32
      %dma_wait3A_70 = arith.constant 0 : i32
      %dma_wait3A_71 = tpu.memref_slice %arg6[%dma_wait3A_69, %dma_wait3A_70] : memref<40x125xi32, #tpu.memory_space<vmem>> -> memref<1x125xi32, #tpu.memory_space<vmem>>
      %dma_wait3A_72 = tpu.memref_squeeze %dma_wait3A_71 : memref<1x125xi32, #tpu.memory_space<vmem>> -> memref<125xi32, #tpu.memory_space<vmem>>
      %dma_wait3A_73 = arith.constant 0 : i32
      %dma_wait3A_74 = arith.constant 0 : i32
      %dma_wait3A_75 = tpu.memref_slice %arg10[%dma_wait3A_73, %dma_wait3A_74] : memref<10000x64xbf16, #tpu.memory_space<vmem_shared>> -> memref<10000x64xbf16, #tpu.memory_space<vmem_shared>>
      tpu.wait_indirect_dma semaphore(%arg13 : memref<!tpu.dma_semaphore, #tpu.memory_space<semaphore_mem>>) src(%dma_wait3A_75 : memref<10000x64xbf16, #tpu.memory_space<vmem_shared>>) dst(%arg9 : memref<125x64xbf16, #tpu.memory_space<vmem>>)
      %add3A_76 = arith.constant 1 : i32
      %add3A_77 = arith.addi %add3A_45, %add3A_76 : i32
      "tpu.region"() ({
        %run_scoped3A_78 = tpu.sem_alloc : memref<!tpu.dma_semaphore, #tpu.memory_space<semaphore_mem>>
        %dma_start3A_79 = arith.constant 0 : i32
        %dma_start3A_80 = tpu.memref_slice %arg7[%add3A_77, %dma_start3A_79] : memref<40x125xi32, #tpu.memory_space<vmem>> -> memref<1x125xi32, #tpu.memory_space<vmem>>
        %dma_start3A_81 = tpu.memref_squeeze %dma_start3A_80 : memref<1x125xi32, #tpu.memory_space<vmem>> -> memref<125xi32, #tpu.memory_space<vmem>>
        %dma_start3A_82 = arith.constant 0 : i32
        %dma_start3A_83 = arith.constant 0 : i32
        %dma_start3A_84 = tpu.memref_slice %arg11[%dma_start3A_82, %dma_start3A_83] : memref<10240x64xbf16, #tpu.memory_space<vmem_shared>> -> memref<10240x64xbf16, #tpu.memory_space<vmem_shared>>
        tpu.enqueue_indirect_dma source(%arg9 : memref<125x64xbf16, #tpu.memory_space<vmem>>) target(%dma_start3A_84 : memref<10240x64xbf16, #tpu.memory_space<vmem_shared>>) offsets(%dma_start3A_81 : memref<125xi32, #tpu.memory_space<vmem>>) semaphore(%run_scoped3A_78 : memref<!tpu.dma_semaphore, #tpu.memory_space<semaphore_mem>>) {add = true}
        %dma_wait3A_85 = arith.constant 0 : i32
        %dma_wait3A_86 = tpu.memref_slice %arg7[%add3A_77, %dma_wait3A_85] : memref<40x125xi32, #tpu.memory_space<vmem>> -> memref<1x125xi32, #tpu.memory_space<vmem>>
        %dma_wait3A_87 = tpu.memref_squeeze %dma_wait3A_86 : memref<1x125xi32, #tpu.memory_space<vmem>> -> memref<125xi32, #tpu.memory_space<vmem>>
        %dma_wait3A_88 = arith.constant 0 : i32
        %dma_wait3A_89 = arith.constant 0 : i32
        %dma_wait3A_90 = tpu.memref_slice %arg11[%dma_wait3A_88, %dma_wait3A_89] : memref<10240x64xbf16, #tpu.memory_space<vmem_shared>> -> memref<10240x64xbf16, #tpu.memory_space<vmem_shared>>
        tpu.wait_indirect_dma semaphore(%run_scoped3A_78 : memref<!tpu.dma_semaphore, #tpu.memory_space<semaphore_mem>>) src(%arg9 : memref<125x64xbf16, #tpu.memory_space<vmem>>) dst(%dma_wait3A_90 : memref<10240x64xbf16, #tpu.memory_space<vmem_shared>>)
        tpu.yield
      }) : () -> ()
    }
    %scan3A_17 = arith.constant 19 : i32
    %dma_start3A_18 = arith.constant 39 : i32
    %dma_start3A_19 = arith.constant 0 : i32
    %dma_start3A_20 = tpu.memref_slice %arg6[%dma_start3A_18, %dma_start3A_19] : memref<40x125xi32, #tpu.memory_space<vmem>> -> memref<1x125xi32, #tpu.memory_space<vmem>>
    %dma_start3A_21 = tpu.memref_squeeze %dma_start3A_20 : memref<1x125xi32, #tpu.memory_space<vmem>> -> memref<125xi32, #tpu.memory_space<vmem>>
    %dma_start3A_22 = arith.constant 0 : i32
    %dma_start3A_23 = arith.constant 0 : i32
    %dma_start3A_24 = tpu.memref_slice %arg10[%dma_start3A_22, %dma_start3A_23] : memref<10000x64xbf16, #tpu.memory_space<vmem_shared>> -> memref<10000x64xbf16, #tpu.memory_space<vmem_shared>>
    tpu.enqueue_indirect_dma source(%dma_start3A_24 : memref<10000x64xbf16, #tpu.memory_space<vmem_shared>>) target(%arg9 : memref<125x64xbf16, #tpu.memory_space<vmem>>) offsets(%dma_start3A_21 : memref<125xi32, #tpu.memory_space<vmem>>) semaphore(%arg13 : memref<!tpu.dma_semaphore, #tpu.memory_space<semaphore_mem>>)
    %dma_wait3A = arith.constant 0 : i32
    %dma_wait3A_25 = arith.constant 0 : i32
    %dma_wait3A_26 = tpu.memref_slice %arg6[%dma_wait3A, %dma_wait3A_25] : memref<40x125xi32, #tpu.memory_space<vmem>> -> memref<1x125xi32, #tpu.memory_space<vmem>>
    %dma_wait3A_27 = tpu.memref_squeeze %dma_wait3A_26 : memref<1x125xi32, #tpu.memory_space<vmem>> -> memref<125xi32, #tpu.memory_space<vmem>>
    %dma_wait3A_28 = arith.constant 0 : i32
    %dma_wait3A_29 = arith.constant 0 : i32
    %dma_wait3A_30 = tpu.memref_slice %arg10[%dma_wait3A_28, %dma_wait3A_29] : memref<10000x64xbf16, #tpu.memory_space<vmem_shared>> -> memref<10000x64xbf16, #tpu.memory_space<vmem_shared>>
    tpu.wait_indirect_dma semaphore(%arg12 : memref<!tpu.dma_semaphore, #tpu.memory_space<semaphore_mem>>) src(%dma_wait3A_30 : memref<10000x64xbf16, #tpu.memory_space<vmem_shared>>) dst(%arg8 : memref<125x64xbf16, #tpu.memory_space<vmem>>)
    %run_scoped3A_31 = arith.constant 38 : i32
    "tpu.region"() ({
      %run_scoped3A_41 = tpu.sem_alloc : memref<!tpu.dma_semaphore, #tpu.memory_space<semaphore_mem>>
      %dma_start3A_42 = arith.constant 0 : i32
      %dma_start3A_43 = tpu.memref_slice %arg7[%run_scoped3A_31, %dma_start3A_42] : memref<40x125xi32, #tpu.memory_space<vmem>> -> memref<1x125xi32, #tpu.memory_space<vmem>>
      %dma_start3A_44 = tpu.memref_squeeze %dma_start3A_43 : memref<1x125xi32, #tpu.memory_space<vmem>> -> memref<125xi32, #tpu.memory_space<vmem>>
      %dma_start3A_45 = arith.constant 0 : i32
      %dma_start3A_46 = arith.constant 0 : i32
      %dma_start3A_47 = tpu.memref_slice %arg11[%dma_start3A_45, %dma_start3A_46] : memref<10240x64xbf16, #tpu.memory_space<vmem_shared>> -> memref<10240x64xbf16, #tpu.memory_space<vmem_shared>>
      tpu.enqueue_indirect_dma source(%arg8 : memref<125x64xbf16, #tpu.memory_space<vmem>>) target(%dma_start3A_47 : memref<10240x64xbf16, #tpu.memory_space<vmem_shared>>) offsets(%dma_start3A_44 : memref<125xi32, #tpu.memory_space<vmem>>) semaphore(%run_scoped3A_41 : memref<!tpu.dma_semaphore, #tpu.memory_space<semaphore_mem>>) {add = true}
      %dma_wait3A_48 = arith.constant 0 : i32
      %dma_wait3A_49 = tpu.memref_slice %arg7[%run_scoped3A_31, %dma_wait3A_48] : memref<40x125xi32, #tpu.memory_space<vmem>> -> memref<1x125xi32, #tpu.memory_space<vmem>>
      %dma_wait3A_50 = tpu.memref_squeeze %dma_wait3A_49 : memref<1x125xi32, #tpu.memory_space<vmem>> -> memref<125xi32, #tpu.memory_space<vmem>>
      %dma_wait3A_51 = arith.constant 0 : i32
      %dma_wait3A_52 = arith.constant 0 : i32
      %dma_wait3A_53 = tpu.memref_slice %arg11[%dma_wait3A_51, %dma_wait3A_52] : memref<10240x64xbf16, #tpu.memory_space<vmem_shared>> -> memref<10240x64xbf16, #tpu.memory_space<vmem_shared>>
      tpu.wait_indirect_dma semaphore(%run_scoped3A_41 : memref<!tpu.dma_semaphore, #tpu.memory_space<semaphore_mem>>) src(%arg8 : memref<125x64xbf16, #tpu.memory_space<vmem>>) dst(%dma_wait3A_53 : memref<10240x64xbf16, #tpu.memory_space<vmem_shared>>)
      tpu.yield
    }) : () -> ()
    %dma_wait3A_32 = arith.constant 0 : i32
    %dma_wait3A_33 = arith.constant 0 : i32
    %dma_wait3A_34 = tpu.memref_slice %arg6[%dma_wait3A_32, %dma_wait3A_33] : memref<40x125xi32, #tpu.memory_space<vmem>> -> memref<1x125xi32, #tpu.memory_space<vmem>>
    %dma_wait3A_35 = tpu.memref_squeeze %dma_wait3A_34 : memref<1x125xi32, #tpu.memory_space<vmem>> -> memref<125xi32, #tpu.memory_space<vmem>>
    %dma_wait3A_36 = arith.constant 0 : i32
    %dma_wait3A_37 = arith.constant 0 : i32
    %dma_wait3A_38 = tpu.memref_slice %arg10[%dma_wait3A_36, %dma_wait3A_37] : memref<10000x64xbf16, #tpu.memory_space<vmem_shared>> -> memref<10000x64xbf16, #tpu.memory_space<vmem_shared>>
    tpu.wait_indirect_dma semaphore(%arg13 : memref<!tpu.dma_semaphore, #tpu.memory_space<semaphore_mem>>) src(%dma_wait3A_38 : memref<10000x64xbf16, #tpu.memory_space<vmem_shared>>) dst(%arg9 : memref<125x64xbf16, #tpu.memory_space<vmem>>)
    %run_scoped3A_39 = arith.constant 39 : i32
    "tpu.region"() ({
      %run_scoped3A_41 = tpu.sem_alloc : memref<!tpu.dma_semaphore, #tpu.memory_space<semaphore_mem>>
      %dma_start3A_42 = arith.constant 0 : i32
      %dma_start3A_43 = tpu.memref_slice %arg7[%run_scoped3A_39, %dma_start3A_42] : memref<40x125xi32, #tpu.memory_space<vmem>> -> memref<1x125xi32, #tpu.memory_space<vmem>>
      %dma_start3A_44 = tpu.memref_squeeze %dma_start3A_43 : memref<1x125xi32, #tpu.memory_space<vmem>> -> memref<125xi32, #tpu.memory_space<vmem>>
      %dma_start3A_45 = arith.constant 0 : i32
      %dma_start3A_46 = arith.constant 0 : i32
      %dma_start3A_47 = tpu.memref_slice %arg11[%dma_start3A_45, %dma_start3A_46] : memref<10240x64xbf16, #tpu.memory_space<vmem_shared>> -> memref<10240x64xbf16, #tpu.memory_space<vmem_shared>>
      tpu.enqueue_indirect_dma source(%arg9 : memref<125x64xbf16, #tpu.memory_space<vmem>>) target(%dma_start3A_47 : memref<10240x64xbf16, #tpu.memory_space<vmem_shared>>) offsets(%dma_start3A_44 : memref<125xi32, #tpu.memory_space<vmem>>) semaphore(%run_scoped3A_41 : memref<!tpu.dma_semaphore, #tpu.memory_space<semaphore_mem>>) {add = true}
      %dma_wait3A_48 = arith.constant 0 : i32
      %dma_wait3A_49 = tpu.memref_slice %arg7[%run_scoped3A_39, %dma_wait3A_48] : memref<40x125xi32, #tpu.memory_space<vmem>> -> memref<1x125xi32, #tpu.memory_space<vmem>>
      %dma_wait3A_50 = tpu.memref_squeeze %dma_wait3A_49 : memref<1x125xi32, #tpu.memory_space<vmem>> -> memref<125xi32, #tpu.memory_space<vmem>>
      %dma_wait3A_51 = arith.constant 0 : i32
      %dma_wait3A_52 = arith.constant 0 : i32
      %dma_wait3A_53 = tpu.memref_slice %arg11[%dma_wait3A_51, %dma_wait3A_52] : memref<10240x64xbf16, #tpu.memory_space<vmem_shared>> -> memref<10240x64xbf16, #tpu.memory_space<vmem_shared>>
      tpu.wait_indirect_dma semaphore(%run_scoped3A_41 : memref<!tpu.dma_semaphore, #tpu.memory_space<semaphore_mem>>) src(%arg9 : memref<125x64xbf16, #tpu.memory_space<vmem>>) dst(%dma_wait3A_53 : memref<10240x64xbf16, #tpu.memory_space<vmem_shared>>)
      tpu.yield
    }) : () -> ()
    %barrier3A_40 = arith.constant 0 : index
    tpu.barrier barrier_id(%barrier3A_40)
    "tpu.region"() ({
      %run_scoped3A_41 = tpu.sem_alloc : memref<!tpu.dma_semaphore, #tpu.memory_space<semaphore_mem>>
      %dma_start3A_42 = arith.constant 0 : i32
      %dma_start3A_43 = tpu.memref_slice %arg5[%arg0, %multiple_of3A, %dma_start3A_42] : memref<2x10240x64xbf16, #tpu.memory_space<hbm>> -> memref<1x640x64xbf16, #tpu.memory_space<hbm>>
      %dma_start3A_44 = tpu.memref_squeeze %dma_start3A_43 : memref<1x640x64xbf16, #tpu.memory_space<hbm>> -> memref<640x64xbf16, #tpu.memory_space<hbm>>
      %dma_start3A_45 = arith.constant 0 : i32
      %dma_start3A_46 = tpu.memref_slice %arg11[%multiple_of3A, %dma_start3A_45] : memref<10240x64xbf16, #tpu.memory_space<vmem_shared>> -> memref<640x64xbf16, #tpu.memory_space<vmem_shared>>
      tpu.enqueue_dma source(%dma_start3A_46 : memref<640x64xbf16, #tpu.memory_space<vmem_shared>>) target(%dma_start3A_44 : memref<640x64xbf16, #tpu.memory_space<hbm>>) target_semaphore(%run_scoped3A_41 : memref<!tpu.dma_semaphore, #tpu.memory_space<semaphore_mem>>)
      %dma_wait3A_47 = arith.constant 0 : i32
      %dma_wait3A_48 = tpu.memref_slice %arg5[%arg0, %multiple_of3A, %dma_wait3A_47] : memref<2x10240x64xbf16, #tpu.memory_space<hbm>> -> memref<1x640x64xbf16, #tpu.memory_space<hbm>>
      %dma_wait3A_49 = tpu.memref_squeeze %dma_wait3A_48 : memref<1x640x64xbf16, #tpu.memory_space<hbm>> -> memref<640x64xbf16, #tpu.memory_space<hbm>>
      %dma_wait3A_50 = arith.constant 0 : i32
      %dma_wait3A_51 = tpu.memref_slice %arg11[%multiple_of3A, %dma_wait3A_50] : memref<10240x64xbf16, #tpu.memory_space<vmem_shared>> -> memref<640x64xbf16, #tpu.memory_space<vmem_shared>>
      tpu.wait_dma2 semaphore(%run_scoped3A_41 : memref<!tpu.dma_semaphore, #tpu.memory_space<semaphore_mem>>) src(%dma_wait3A_51 : memref<640x64xbf16, #tpu.memory_space<vmem_shared>>) dst(%dma_wait3A_49 : memref<640x64xbf16, #tpu.memory_space<hbm>>)
      tpu.yield
    }) : () -> ()
    return
  }
}

module attributes {stable_mosaic.version = 14 : i64} {
  func.func @_ymat_body(%arg0: i32, %arg1: memref<5000x256xf32, #tpu.memory_space<vmem>>, %arg2: memref<50x256xf32, #tpu.memory_space<vmem>>, %arg3: memref<5000x64xbf16, #tpu.memory_space<vmem>>) attributes {dimension_semantics = [#tpu.dimension_semantics<arbitrary>], iteration_bounds = array<i64: 2>, scalar_prefetch = 0 : i64, scratch_operands = 0 : i64, tpu.core_type = #tpu.core_type<tc>, window_params = [{transform_indices = @transform_0, window_bounds = array<i64: 5000, 256>}, {pipeline_mode = #tpu.pipeline_mode<synchronous>, transform_indices = @transform_1, window_bounds = array<i64: 50, 256>}, {transform_indices = @transform_2, window_bounds = array<i64: 5000, 64>}]} {
    %get3A = arith.constant 0 : index
    %get3A_0 = arith.constant 0 : index
    %get3A_1 = vector.load %arg1[%get3A, %get3A_0] : memref<5000x256xf32, #tpu.memory_space<vmem>>, vector<5000x256xf32>
    %convert_element_type3A = arith.truncf %get3A_1 : vector<5000x256xf32> to vector<5000x256xbf16>
    %get3A_2 = arith.constant 0 : index
    %get3A_3 = arith.constant 0 : index
    %get3A_4 = vector.load %arg2[%get3A_2, %get3A_3] : memref<50x256xf32, #tpu.memory_space<vmem>>, vector<50x256xf32>
    %convert_element_type3A_5 = arith.truncf %get3A_4 : vector<50x256xf32> to vector<50x256xbf16>
    %dot_general3A = arith.constant dense<0.000000e+00> : vector<5000x50xf32>
    %dot_general3A_6 = tpu.matmul %convert_element_type3A, %convert_element_type3A_5, %dot_general3A {dimension_numbers = #tpu.dot_dimension_numbers<[1], [1], [0], [0], [0, 0, 1, 0], [], []>, transpose_lhs_hint = false} : vector<5000x256xbf16>, vector<50x256xbf16>, vector<5000x50xf32> -> vector<5000x50xf32>
    %broadcast_in_dim3A = arith.constant 0.000000e+00 : bf16
    %broadcast_in_dim3A_7 = vector.broadcast %broadcast_in_dim3A : bf16 to vector<5000x64xbf16>
    %swap3A = arith.constant 0 : index
    %swap3A_8 = arith.constant 0 : index
    %swap3A_9 = vector.load %arg3[%swap3A, %swap3A_8] : memref<5000x64xbf16, #tpu.memory_space<vmem>>, vector<5000x64xbf16>
    tpu.vector_store %arg3[%swap3A, %swap3A_8], %broadcast_in_dim3A_7 {strides = array<i32>} : memref<5000x64xbf16, #tpu.memory_space<vmem>>, vector<5000x64xbf16>,
    %convert_element_type3A_10 = arith.truncf %dot_general3A_6 : vector<5000x50xf32> to vector<5000x50xbf16>
    %swap3A_11 = arith.constant 0 : index
    %swap3A_12 = arith.constant 0 : index
    %swap3A_13 = vector.load %arg3[%swap3A_11, %swap3A_12] : memref<5000x64xbf16, #tpu.memory_space<vmem>>, vector<5000x50xbf16>
    tpu.vector_store %arg3[%swap3A_11, %swap3A_12], %convert_element_type3A_10 {strides = array<i32>} : memref<5000x64xbf16, #tpu.memory_space<vmem>>, vector<5000x50xbf16>,
    %broadcast_in_dim3A_14 = arith.constant 1.000000e+00 : bf16
    %broadcast_in_dim3A_15 = vector.broadcast %broadcast_in_dim3A_14 : bf16 to vector<5000x1xbf16>
    %swap3A_16 = arith.constant 0 : index
    %swap3A_17 = arith.constant 50 : index
    %swap3A_18 = vector.load %arg3[%swap3A_16, %swap3A_17] : memref<5000x64xbf16, #tpu.memory_space<vmem>>, vector<5000x1xbf16>
    tpu.vector_store %arg3[%swap3A_16, %swap3A_17], %broadcast_in_dim3A_15 {strides = array<i32>} : memref<5000x64xbf16, #tpu.memory_space<vmem>>, vector<5000x1xbf16>,
    return
  }
  func.func @transform_0(%arg0: i32) -> (i32, i32) {
    %c0_i32 = arith.constant 0 : i32
    %c0_i32_0 = arith.constant 0 : i32
    return %arg0, %c0_i32 : i32, i32
  }
  func.func @transform_1(%arg0: i32) -> (i32, i32) {
    %c0_i32 = arith.constant 0 : i32
    %c0_i32_0 = arith.constant 0 : i32
    %c0_i32_1 = arith.constant 0 : i32
    return %c0_i32, %c0_i32_0 : i32, i32
  }
  func.func @transform_2(%arg0: i32) -> (i32, i32) {
    %c0_i32 = arith.constant 0 : i32
    %c0_i32_0 = arith.constant 0 : i32
    return %arg0, %c0_i32 : i32, i32
  }
}

module attributes {stable_mosaic.version = 14 : i64} {
  func.func @_zmat_body(%arg0: i32, %arg1: memref<2000x256xf32, #tpu.memory_space<vmem>>, %arg2: memref<50x256xf32, #tpu.memory_space<vmem>>, %arg3: memref<50xf32, #tpu.memory_space<vmem>>, %arg4: memref<2000x64xf32, #tpu.memory_space<vmem>>) attributes {dimension_semantics = [#tpu.dimension_semantics<arbitrary>], iteration_bounds = array<i64: 5>, scalar_prefetch = 0 : i64, scratch_operands = 0 : i64, tpu.core_type = #tpu.core_type<tc>, window_params = [{transform_indices = @transform_0, window_bounds = array<i64: 2000, 256>}, {pipeline_mode = #tpu.pipeline_mode<synchronous>, transform_indices = @transform_1, window_bounds = array<i64: 50, 256>}, {pipeline_mode = #tpu.pipeline_mode<synchronous>, transform_indices = @transform_2, window_bounds = array<i64: 50>}, {transform_indices = @transform_3, window_bounds = array<i64: 2000, 64>}]} {
    %get3A = arith.constant 0 : index
    %get3A_0 = arith.constant 0 : index
    %get3A_1 = vector.load %arg1[%get3A, %get3A_0] : memref<2000x256xf32, #tpu.memory_space<vmem>>, vector<2000x256xf32>
    %convert_element_type3A = arith.truncf %get3A_1 : vector<2000x256xf32> to vector<2000x256xbf16>
    %get3A_2 = arith.constant 0 : index
    %get3A_3 = arith.constant 0 : index
    %get3A_4 = vector.load %arg2[%get3A_2, %get3A_3] : memref<50x256xf32, #tpu.memory_space<vmem>>, vector<50x256xf32>
    %convert_element_type3A_5 = arith.truncf %get3A_4 : vector<50x256xf32> to vector<50x256xbf16>
    %dot_general3A = arith.constant dense<0.000000e+00> : vector<2000x50xf32>
    %dot_general3A_6 = tpu.matmul %convert_element_type3A, %convert_element_type3A_5, %dot_general3A {dimension_numbers = #tpu.dot_dimension_numbers<[1], [1], [0], [0], [0, 0, 1, 0], [], []>, transpose_lhs_hint = false} : vector<2000x256xbf16>, vector<50x256xbf16>, vector<2000x50xf32> -> vector<2000x50xf32>
    %broadcast_in_dim3A = arith.constant 0.000000e+00 : f32
    %broadcast_in_dim3A_7 = vector.broadcast %broadcast_in_dim3A : f32 to vector<2000x64xf32>
    %swap3A = arith.constant 0 : index
    %swap3A_8 = arith.constant 0 : index
    %swap3A_9 = vector.load %arg4[%swap3A, %swap3A_8] : memref<2000x64xf32, #tpu.memory_space<vmem>>, vector<2000x64xf32>
    tpu.vector_store %arg4[%swap3A, %swap3A_8], %broadcast_in_dim3A_7 {strides = array<i32>} : memref<2000x64xf32, #tpu.memory_space<vmem>>, vector<2000x64xf32>,
    %get3A_10 = arith.constant 0 : index
    %get3A_11 = vector.load %arg3[%get3A_10] : memref<50xf32, #tpu.memory_space<vmem>>, vector<50xf32>
    %broadcast_in_dim3A_12 = vector.shape_cast %get3A_11 : vector<50xf32> to vector<1x50xf32>
    %add3A = vector.broadcast %broadcast_in_dim3A_12 : vector<1x50xf32> to vector<2000x50xf32>
    %add3A_13 = arith.addf %dot_general3A_6, %add3A : vector<2000x50xf32>
    %swap3A_14 = arith.constant 0 : index
    %swap3A_15 = arith.constant 0 : index
    %swap3A_16 = vector.load %arg4[%swap3A_14, %swap3A_15] : memref<2000x64xf32, #tpu.memory_space<vmem>>, vector<2000x50xf32>
    tpu.vector_store %arg4[%swap3A_14, %swap3A_15], %add3A_13 {strides = array<i32>} : memref<2000x64xf32, #tpu.memory_space<vmem>>, vector<2000x50xf32>,
    return
  }
  func.func @transform_0(%arg0: i32) -> (i32, i32) {
    %c0_i32 = arith.constant 0 : i32
    %c0_i32_0 = arith.constant 0 : i32
    return %arg0, %c0_i32 : i32, i32
  }
  func.func @transform_1(%arg0: i32) -> (i32, i32) {
    %c0_i32 = arith.constant 0 : i32
    %c0_i32_0 = arith.constant 0 : i32
    %c0_i32_1 = arith.constant 0 : i32
    return %c0_i32, %c0_i32_0 : i32, i32
  }
  func.func @transform_2(%arg0: i32) -> i32 {
    %c0_i32 = arith.constant 0 : i32
    %c0_i32_0 = arith.constant 0 : i32
    return %c0_i32 : i32
  }
  func.func @transform_3(%arg0: i32) -> (i32, i32) {
    %c0_i32 = arith.constant 0 : i32
    %c0_i32_0 = arith.constant 0 : i32
    return %arg0, %c0_i32 : i32, i32
  }
}

module attributes {stable_mosaic.version = 14 : i64} {
  func.func @_finish_body(%arg0: i32, %arg1: memref<2x5000x64xbf16, #tpu.memory_space<vmem>>, %arg2: memref<5000x64xf32, #tpu.memory_space<vmem>>, %arg3: memref<5000x50xf32, #tpu.memory_space<vmem>>) attributes {dimension_semantics = [#tpu.dimension_semantics<arbitrary>], iteration_bounds = array<i64: 2>, scalar_prefetch = 0 : i64, scratch_operands = 0 : i64, tpu.core_type = #tpu.core_type<tc>, window_params = [{transform_indices = @transform_0, window_bounds = array<i64: 2, 5000, 64>}, {transform_indices = @transform_1, window_bounds = array<i64: 5000, 64>}, {transform_indices = @transform_2, window_bounds = array<i64: 5000, 50>}]} {
    %get3A = arith.constant 0 : index
    %get3A_0 = arith.constant 0 : index
    %get3A_1 = arith.constant 0 : index
    %get3A_2 = vector.load %arg1[%get3A, %get3A_0, %get3A_1] : memref<2x5000x64xbf16, #tpu.memory_space<vmem>>, vector<1x5000x64xbf16>
    %get3A_3 = vector.shape_cast %get3A_2 : vector<1x5000x64xbf16> to vector<5000x64xbf16>
    %convert_element_type3A = arith.extf %get3A_3 : vector<5000x64xbf16> to vector<5000x64xf32>
    %get3A_4 = arith.constant 1 : index
    %get3A_5 = arith.constant 0 : index
    %get3A_6 = arith.constant 0 : index
    %get3A_7 = vector.load %arg1[%get3A_4, %get3A_5, %get3A_6] : memref<2x5000x64xbf16, #tpu.memory_space<vmem>>, vector<1x5000x64xbf16>
    %get3A_8 = vector.shape_cast %get3A_7 : vector<1x5000x64xbf16> to vector<5000x64xbf16>
    %convert_element_type3A_9 = arith.extf %get3A_8 : vector<5000x64xbf16> to vector<5000x64xf32>
    %add3A = arith.addf %convert_element_type3A, %convert_element_type3A_9 : vector<5000x64xf32>
    %slice3A = vector.extract_strided_slice %add3A {offsets = [0, 50], sizes = [5000, 1], strides = [1, 1]} : vector<5000x64xf32> to vector<5000x1xf32>
    %max3A = arith.constant 1.000000e+00 : f32
    %max3A_10 = vector.broadcast %max3A : f32 to vector<5000x1xf32>
    %max3A_11 = arith.maximumf %slice3A, %max3A_10 : vector<5000x1xf32>
    %div3A = vector.broadcast %max3A_11 : vector<5000x1xf32> to vector<5000x64xf32>
    %div3A_12 = arith.divf %add3A, %div3A : vector<5000x64xf32>
    %get3A_13 = arith.constant 0 : index
    %get3A_14 = arith.constant 0 : index
    %get3A_15 = vector.load %arg2[%get3A_13, %get3A_14] : memref<5000x64xf32, #tpu.memory_space<vmem>>, vector<5000x64xf32>
    %add3A_16 = arith.addf %div3A_12, %get3A_15 : vector<5000x64xf32>
    %iota3A = tpu.iota {dimensions = array<i32: 1>} : vector<5000x64xi32>
    %lt3A = arith.constant 50 : i32
    %lt3A_17 = vector.broadcast %lt3A : i32 to vector<5000x64xi32>
    %lt3A_18 = arith.cmpi slt, %iota3A, %lt3A_17 : vector<5000x64xi32>
    %jit3A = arith.constant 0.000000e+00 : f32
    %broadcast_in_dim3A = vector.broadcast %jit3A : f32 to vector<5000x64xf32>
    %select_n3A = arith.select %lt3A_18, %add3A_16, %broadcast_in_dim3A : vector<5000x64xi1>, vector<5000x64xf32>
    %mul3A = arith.mulf %select_n3A, %select_n3A : vector<5000x64xf32>
    %reduce_sum3A = arith.constant dense<0.000000e+00> : vector<5000xf32>
    %reduce_sum3A_19 = vector.multi_reduction <add>, %mul3A, %reduce_sum3A [1] : vector<5000x64xf32> to vector<5000xf32>
    %broadcast_in_dim3A_20 = vector.shape_cast %reduce_sum3A_19 : vector<5000xf32> to vector<5000x1xf32>
    %sqrt3A = math.sqrt %broadcast_in_dim3A_20 : vector<5000x1xf32>
    %max3A_21 = arith.constant 9.99999996E-13 : f32
    %max3A_22 = vector.broadcast %max3A_21 : f32 to vector<5000x1xf32>
    %max3A_23 = arith.maximumf %sqrt3A, %max3A_22 : vector<5000x1xf32>
    %div3A_24 = vector.broadcast %max3A_23 : vector<5000x1xf32> to vector<5000x64xf32>
    %div3A_25 = arith.divf %select_n3A, %div3A_24 : vector<5000x64xf32>
    %slice3A_26 = vector.extract_strided_slice %div3A_25 {offsets = [0, 0], sizes = [5000, 50], strides = [1, 1]} : vector<5000x64xf32> to vector<5000x50xf32>
    %swap3A = arith.constant 0 : index
    %swap3A_27 = arith.constant 0 : index
    %swap3A_28 = vector.load %arg3[%swap3A, %swap3A_27] : memref<5000x50xf32, #tpu.memory_space<vmem>>, vector<5000x50xf32>
    tpu.vector_store %arg3[%swap3A, %swap3A_27], %slice3A_26 {strides = array<i32>} : memref<5000x50xf32, #tpu.memory_space<vmem>>, vector<5000x50xf32>,
    return
  }
  func.func @transform_0(%arg0: i32) -> (i32, i32, i32) {
    %c0_i32 = arith.constant 0 : i32
    %c0_i32_0 = arith.constant 0 : i32
    %c0_i32_1 = arith.constant 0 : i32
    return %c0_i32, %arg0, %c0_i32_0 : i32, i32, i32
  }
  func.func @transform_1(%arg0: i32) -> (i32, i32) {
    %c0_i32 = arith.constant 0 : i32
    %c0_i32_0 = arith.constant 0 : i32
    return %arg0, %c0_i32 : i32, i32
  }
  func.func @transform_2(%arg0: i32) -> (i32, i32) {
    %c0_i32 = arith.constant 0 : i32
    %c0_i32_0 = arith.constant 0 : i32
    return %arg0, %c0_i32 : i32, i32
  }
}

</mosaic_0001>

<sc_bundles>
// kernel: kernel.6.cloned.1.call-start
scs
__scs_entry_jumppad:
0x0: {  	(pc) =	sbr.rel $0x88, $3  }
0x1: {  	(tag) =	ssettag $0x0;
	lr =	simm.s32 $0x1  }
0x2: {  	[smem:$0x3F9C] =	sst lr;
	_ =	strace $0xD0000000  }
0x3: {  	_ = 	snop  }
0x4: {  	_ = 	snop  }
0x5: {  	_ = 	snop  }
0x6: {  	_ = 	snop  }
0x7: {  	_ = 	snop  }
__scs_overlays_trampoline_lowered:
0x8: {  	[smem:$0x3FAB] =	sst s0  }
0x9: {  	[smem:$0x3FAC] =	sst s1  }
0xa: {  	[smem:$0x3FAD] =	sst s2  }
0xb: {  	[smem:$0x3FAE] =	sst s3  }
0xc: {  	[smem:$0x3FAF] =	sst s4  }
0xd: {  	[smem:$0x3FB0] =	sst s5  }
0xe: {  	[smem:$0x3FB1] =	sst s6  }
0xf: {  	[smem:$0x3FB2] =	sst s7  }
0x10: {  	[smem:$0x3FB3] =	sst s8  }
0x11: {  	[smem:$0x3FB4] =	sst s9;
	s0 =	simm.s32 @!p0 $0x0  }
0x12: {  	s1 =	sld [smem:$0x3F9A];
	s0 =	simm.s32 @p0 $0x1  }
0x13: {  	[smem:$0x3FB5] =	sst s0;
	s0 =	simm.s32 @!p1 $0x0  }
0x14: {  	s2 =	sld [smem:$0x3F99];
	s0 =	simm.s32 @p1 $0x1  }
0x15: {  	[smem:$0x3FB6] =	sst s0;
	s0 =	simm.s32 @!p2 $0x0  }
0x16: {  	s3 =	sld [smem:$0x3FDB];
	s0 =	simm.s32 @p2 $0x1  }
0x17: {  	s4 =	simm.s32 $0x1BF5;
	[smem:$0x3FB8] =	sst s0  }
0x18: {  	s0 =	sld [smem:$0x3F9B];
	_ =	swait.ge [sflag:s4], $0x0  }
0x19: {  	s7 =	sld [smem:$0x3F9C]  }
0x1a: {  	s8 =	sadd.s32 $0xFFFFE003, lr  }
0x1b: {  	s9 =	sadd.s32 $0xFFFFFEF7, lr;
	s5 =	simm.s32 $0xFFFFFFFF;
	p2 =	slt.u32 s8, $0xFFFFF086  }
0x1c: {  	p1 =	slt.u32 s9, $0xF7A;
	s5 =	simm.s32 @!p2 $0x0  }
0x1d: {  	s5 =	simm.s32 @p1 $0x1;
	p0 =	seq.s32 s7, s2  }
0x1e: {  	s7 =	smul.u32 @!p0 $0xF7A, s2;
	p2 =	seq.s32 @!p0 s5, $0x0  }
0x1f: {  	s9 =	smul.u32 $0xF7A, s1;
	s8 =	simm.s32 @!p0 $0x1BF5;
	p2 =	por !p2, p0  }
0x20: {  	[sflag:s8] =	ssyncset.s32 @!p0 $0xFFFFF086;
	s6 =	sadd.s32 @!p0 s3, s7;
	s7 =	simm.s32 @!p0 $0x108  }
0x21: {  	s3 =	sadd.s32 s3, s9;
	s6 =	sadd.s32 @!p0 $0x88, s6;
	s7 =	simm.s32 @p2 $0x1082  }
0x22: {  	[simem:s7], [sflag:s8] =	dma.local @!p0 [hbm:s6], $0xF7A  }
0x23: {  	s9 =	sor.u32 $0xD0000000, s2;
	s6 =	simm.s32 $0x108;
	_ =	swait.ge @!p0 [sflag:s8], $0x0  }
0x24: {  	s3 =	sadd.s32 $0x88, s3;
	s6 =	simm.s32 @!p1 $0x1082;
	[sflag:s4] =	ssyncset.s32 $0xFFFFF086  }
0x25: {  	[simem:s6], [sflag:s4] =	dma.local [hbm:s3], $0xF7A  }
0x26: {  	[smem:$0x3F9C] =	sst s1;
	(tag) =	ssettag s2;
	_ =	strace s9  }
0x27: {  	s1 =	sld [smem:$0x3FAC]  }
0x28: {  	s2 =	sld [smem:$0x3FAD]  }
0x29: {  	s4 =	sld [smem:$0x3FAF]  }
0x2a: {  	p0 =	seq.s32 s5, $0x0;
	s5 =	sld [smem:$0x3FB0]  }
0x2b: {  	s6 =	sld [smem:$0x3FB1]  }
0x2c: {  	s7 =	sld [smem:$0x3FB2]  }
0x2d: {  	s3 =	simm.s32 $0x108;
	s8 =	sld [smem:$0x3FB3]  }
0x2e: {  	s3 =	simm.s32 @!p0 $0x1082;
	s9 =	sld [smem:$0x3FB4]  }
0x2f: {  	lr =	sadd.s32 s0, s3;
	s0 =	sld [smem:$0x3FAB]  }
0x30: {  	s3 =	sld [smem:$0x3FAE]  }
0x31: {  	[smem:$0x3FB7] =	sst s10  }
0x32: {  	s10 =	sld [smem:$0x3FB5];
	_ =	sdelay $0x3  }
0x33: {  	p0 =	seq.s32 s10, $0x1;
	s10 =	sld [smem:$0x3FB7];
	_ =	sdelay $0x3  }
0x34: {  	[smem:$0x3FB7] =	sst s10  }
0x35: {  	s10 =	sld [smem:$0x3FB6];
	_ =	sdelay $0x3  }
0x36: {  	p1 =	seq.s32 s10, $0x1;
	s10 =	sld [smem:$0x3FB7];
	_ =	sdelay $0x3  }
0x37: {  	[smem:$0x3FB7] =	sst s10  }
0x38: {  	s10 =	sld [smem:$0x3FB8]  }
0x39: {  	_ = 	snop;
	(pc) =	sbr.ind lr, $3  }
0x3a: {  	_ = 	snop  }
0x3b: {  	_ = 	snop  }
0x3c: {  	p2 =	seq.s32 s10, $0x1;
	s10 =	sld [smem:$0x3FB7]  }
0x3d: {  	_ =	shalt  }
0x3e: {  	_ =	shalt  }
0x3f: {  	_ =	shalt  }
0x40: {  	_ =	shalt  }
0x41: {  	_ =	shalt  }
0x42: {  	_ =	shalt  }
0x43: {  	_ =	shalt  }
0x44: {  	_ =	shalt  }
0x45: {  	_ =	shalt  }
0x46: {  	_ =	shalt  }
0x47: {  	_ =	shalt  }
0x48: {  	_ =	shalt  }
0x49: {  	_ =	shalt  }
0x4a: {  	_ =	shalt  }
0x4b: {  	_ =	shalt  }
0x4c: {  	_ =	shalt  }
0x4d: {  	_ =	shalt  }
0x4e: {  	_ =	shalt  }
0x4f: {  	_ =	shalt  }
0x50: {  	_ =	shalt  }
0x51: {  	_ =	shalt  }
0x52: {  	_ =	shalt  }
0x53: {  	_ =	shalt  }
0x54: {  	_ =	shalt  }
0x55: {  	_ =	shalt  }
0x56: {  	_ =	shalt  }
0x57: {  	_ =	shalt  }
0x58: {  	_ =	shalt  }
0x59: {  	_ =	shalt  }
0x5a: {  	_ =	shalt  }
0x5b: {  	_ =	shalt  }
0x5c: {  	_ =	shalt  }
0x5d: {  	_ =	shalt  }
0x5e: {  	_ =	shalt  }
0x5f: {  	_ =	shalt  }
0x60: {  	_ =	shalt  }
0x61: {  	_ =	shalt  }
0x62: {  	_ =	shalt  }
0x63: {  	_ =	shalt  }
0x64: {  	_ =	shalt  }
0x65: {  	_ =	shalt  }
0x66: {  	_ =	shalt  }
0x67: {  	_ =	shalt  }
0x68: {  	_ =	shalt  }
0x69: {  	_ =	shalt  }
0x6a: {  	_ =	shalt  }
0x6b: {  	_ =	shalt  }
0x6c: {  	_ =	shalt  }
0x6d: {  	_ =	shalt  }
0x6e: {  	_ =	shalt  }
0x6f: {  	_ =	shalt  }
0x70: {  	_ =	shalt  }
0x71: {  	_ =	shalt  }
0x72: {  	_ =	shalt  }
0x73: {  	_ =	shalt  }
0x74: {  	_ =	shalt  }
0x75: {  	_ =	shalt  }
0x76: {  	_ =	shalt  }
0x77: {  	_ =	shalt  }
0x78: {  	_ =	shalt  }
0x79: {  	_ =	shalt  }
0x7a: {  	_ =	shalt  }
0x7b: {  	_ =	shalt  }
0x7c: {  	_ =	shalt  }
0x7d: {  	_ =	shalt  }
0x7e: {  	_ =	shalt  }
0x7f: {  	_ =	shalt  }
0x80: {  	_ =	shalt  }
0x81: {  	_ =	shalt  }
0x82: {  	_ =	shalt  }
0x83: {  	_ =	shalt  }
0x84: {  	_ =	shalt  }
0x85: {  	_ =	shalt  }
0x86: {  	_ =	shalt  }
0x87: {  	_ =	shalt  }
.Lfunc_end0:
.L_simem_size_0:
called_computation_lowered:
.L_overlay_start_0:
0x88: {  	s2 =	sld [smem:$0x3FD9]  }
0x89: {  	s3 =	sld [smem:$0x3FFE];
	_ =	sdelay $0x1  }
0x8a: {  	s1 =	srdreg.scid  }
0x8b: {  	s0 =	sand.u32 $0x1, s1  }
0x8c: {  	s17 =	sshll.u32 s0, $0xA;
	s2 =	sadd.s32 s3, s2  }
0x8d: {  	s2 =	sadd.s32 s2, s17  }
0x8e: {  	[smem:$0x3FC3] =	sst s2  }
0x8f: {  	_ = 	snop  }
0x90: {  	s2 =	sld [smem:$0x3FD0];
	(tm) =	ssettm $0x1  }
0x91: {  	s18 =	sld [smem:$0x3FFB];
	_ =	sdelay $0x3  }
0x92: {  	_ =	strace s18  }
0x93: {  	s3 =	sld [smem:$0x3FFC];
	_ =	sdelay $0x3  }
0x94: {  	_ =	strace s3  }
0x95: {  	s3 =	sld [smem:$0x3FFD];
	_ =	sdelay $0x3  }
0x96: {  	_ =	strace s3  }
0x97: {  	_ =	strace $0x8FFFFFFF  }
0x98: {  	s19 =	sld [smem:$0x3FDB];
	_ =	sdelay $0x1  }
0x99: {  	s4 =	simm.s32 $_scs_section_size  }
0x9a: {  	s5 =	simm.s32 $_size__tile_overlayer_lowered;
	s6 =	simm.s32 $_tile_overlayer_lowered  }
0x9b: {  	s22 =	simm.s32 $0x1BFF;
	s21 =	sshll.u32 s6, $0x1;
	s3 =	sadd.s32 s4, s19  }
0x9c: {  	s7 =	simm.s32 $0x0;
	s20 =	sshll.u32 s5, $0x1;
	s5 =	sadd.s32 s21, s3  }
0x9d: {  	[timem:s7], [sflag:s22] =	dma.local [hbm:s5], s20  }
0x9e: {  	_ =	swait.ge [sflag:s22], s20  }
0x9f: {  	s4 =	ssub.s32 $0x0, s20;
	[sflag:s22] =	ssyncset.done $0x0  }
0xa0: {  	[sflag:s22] =	ssyncadd.s32 s4;
	_ =	sdelay $0x1  }
0xa1: {  	s23 =	simm.s32 $0x1B8B  }
0xa2: {  	_ =	swait.ge [sflag:s23], $0x1  }
0xa3: {  	[sflag:s23] =	ssyncset.done $0x0  }
0xa4: {  	s25 =	simm.s32 $0x1B8E;
	s24 =	sld [smem:$0x3FFE];
	[sflag:s23] =	ssyncadd.s32 $0xFFFFFFFF  }
0xa5: {  	s26 =	simm.s32 $execute0_lowered;
	[smem:$0x3FD2] =	sst s25  }
0xa6: {  	s5 =	sshll.u32 s26, $0x1;
	_ =	strace $0x80000046;
	[dreg:$0x1] =	wrdreg $0xFFFFFFFF  }
0xa7: {  	s28 =	simm.s32 $_size_execute0_lowered;
	s3 =	sadd.s32 s3, s5;
	[dreg:$0x0] =	wrdreg $0x0  }
0xa8: {  	s5 =	sshll.u32 s28, $0x1;
	[dreg:$0x2] =	wrdreg s3  }
0xa9: {  	[dreg:$0x3] =	wrdreg s5  }
0xaa: {  	[dreg:$0x4] =	wrdreg $0xC0  }
0xab: {  	_ =	task [dreg:s7], $0x5FFFF  }
0xac: {  	[dreg:$0x1] =	wrdreg $0xFFFFFFFF  }
0xad: {  	[dreg:$0x0] =	wrdreg $0x60  }
0xae: {  	[dreg:$0x2] =	wrdreg s24  }
0xaf: {  	[dreg:$0x3] =	wrdreg s2  }
0xb0: {  	[dreg:$0x4] =	wrdreg $0x47400  }
0xb1: {  	[dreg:$0x5] =	wrdreg $0x95600  }
0xb2: {  	[dreg:$0x6] =	wrdreg $0x9  }
0xb3: {  	_ =	task.clear_ibuf [dreg:s7], $0x7FFFF;
	_ =	strace $0x90000046  }
0xb4: {  	s29 =	simm.s32 $0x9;
	_ =	strace $0x80000048  }
0xb5: {  	_ =	swait.ge [sflag:s29], $0x1  }
0xb6: {  	[sflag:s29] =	ssyncadd.s32 $0xFFFFFFFF  }
0xb7: {  	_ =	strace $0x90000048  }
0xb8: {  	_ =	sfence  }
0xb9: {  	s30 =	sld [smem:$0x0];
	_ =	sdelay $0x2  }
0xba: {  	s31 =	sshll.u32 s1, $0xD;
	s1 =	sshrl.u32 s1, $0x2  }
0xbb: {  	s3 =	sand.u32 $0x4000, s31;
	s1 =	sadd.s32 s1, s30  }
0xbc: {  	s0 =	sor.u32 s3, s0;
	s1 =	sshll.u32 s1, $0x11  }
0xbd: {  	s0 =	sor.u32 s1, s0  }
0xbe: {  	s0 =	sadd.s32 $0x8F2B, s0  }
0xbf: {  	[sflag:s0] =	ssyncadd.remote.s32 $0x1  }
0xc0: {  	_ =	sfence.sel $0xFFFF  }
0xc1: {  	[dreg:$0x0] =	wrdreg $0xFFFFFFFF;
	(pc) =	sbr.abs _section_cstart, $3  }
0xc2: {  	[dreg:$0x1] =	wrdreg $0xFFFFFFFF  }
0xc3: {  	_ =	task.clear_ibuf [dreg:s7], $0x2FFFF;
	_ =	strace $0x9FFFFFFF  }
0xc4: {  	(tm) =	ssettm $0x7FFFFFFF  }
0xc5: {  	_ =	shalt  }
tec
execute0_lowered:
.L_overlay_start_1:
0x0: {  	(tag) =	ssettag $0x1  }
0x1: {  	s6 =	rddreg [dreg:$0x0]  }
0x2: {  	s7 =	rddreg [dreg:$0x1]  }
0x3: {  	s2 =	rddreg [dreg:$0x2]  }
0x4: {  	s3 =	rddreg [dreg:$0x3]  }
0x5: {  	s0 =	rddreg [dreg:$0x4];
	s1 =	stileid.u32  }
0x6: {  	s4 =	simm.s32 $0x0;
	s5 =	srdreg.scid;
	s17 =	simm.s32 $0x2800  }
0x7: {  	s18 =	simm.s32 $0x37A0;
	s19 =	simm.s32 $0x1;
	s20 =	simm.s32 $0x2  }
0x8: {  	s21 =	simm.s32 $0x1380;
	s22 =	simm.s32 $0x2700;
	s23 =	simm.s32 $0x2780  }
0x9: {  	s24 =	simm.s32 $0x0;
	s8 =	smul.u32 $0x9C40, s1;
	[smem:$0x7FF] =	sst s4  }
0xa: {  	s9 =	sand.u32 $0x1, s5;
	s10 =	smul.u32 $0xA000, s1;
	s5 =	sadd.s32 $0xC00, s6  }
0xb: {  	s31 =	sshll.u32 s1, $0x6;
	_ =	strace $0x80000047;
	s11 =	smul.u32 $0xA0000, s9  }
0xc: {  	s13 =	sshll.u32 s9, $0x4;
	s9 =	ssub.s32 $0x2, s9;
	s28 =	sshrl.u32 s8, $0x4  }
0xd: {  	s13 =	sor.u32 s1, s13;
	s14 =	sshrl.u32 s9, $0x1;
	s29 =	sshrl.u32 s8, $0x1  }
0xe: {  	s8 =	sor.u32 $0x1C03, s31;
	s12 =	sadd.s32 s28, s6;
	s11 =	sadd.s32 s10, s11  }
0xf: {  	s13 =	smul.u32 $0x1400, s13;
	s14 =	ssub.s32 s9, s14;
	s10 =	sshrl.u32 s10, $0x1  }
0x10: {  	s15 =	sadd.s32 s29, s2;
	s11 =	sshrl.u32 s11, $0x4;
	s16 =	sadd.s32 s10, s3  }
0x11: {  	s11 =	sadd.s32 s11, s6;
	s6 =	sadd.s32 $0x1600, s12;
	s30 =	sshrl.u32 s13, $0x3  }
0x12: {  	s12 =	sshrl.u32 s15, $0x3;
	s13 =	simm.s32 $0x3;
	s15 =	simm.s32 $0x1400  }
0x13: {  	s7 =	sadd.s32 s7, s30;
	s10 =	sadd.s32 $0xB400, s11;
	s11 =	smax.u32 s14, $0x1  }
0x14: {  	s14 =	sshrl.u32 s16, $0x3;
	s16 =	simm.s32 $0x7D;
	s9 =	sadd.s32 $0x5000, s7  }
.LBB2_1:
0x15: {  	[spmem:s12], [sflag:s8] =	dma.local [hbm:s6], $0x9C4  }
0x16: {  	_ =	swait.ge [sflag:s13], $0x9C4  }
0x17: {  	[sflag:s13] =	ssyncset.done $0x0  }
0x18: {  	[sflag:s13] =	ssyncadd.s32 $0xFFFFF63C  }
0x19: {  	[spmem:s14], [sflag:s8] =	dma.local [hbm:s5], $0xA00  }
0x1a: {  	_ =	swait.ge [sflag:s13], $0xA00  }
0x1b: {  	[sflag:s13] =	ssyncset.done $0x0  }
0x1c: {  	[sflag:s13] =	ssyncadd.s32 $0xFFFFF600  }
0x1d: {  	[tilespmem:s4], [sflag:$0x3] =	stream.linear.gather [hbm4b:s7+s4], $0x1400, $0x38;
	[tilespmem:$0xE560] =	vst v63  }
0x1e: {  	_ =	swait.ge [sflag:s13], $0x1400  }
0x1f: {  	[sflag:s13] =	ssyncset.done $0x0  }
0x20: {  	[sflag:s13] =	ssyncadd.s32 $0xFFFFEC00  }
0x21: {  	[tilespmem:s15], [sflag:$0x3] =	stream.linear.gather [hbm4b:s9+s4], $0x1400, $0x38;
	[tilespmem:$0xE560] =	vst v63  }
0x22: {  	_ =	swait.ge [sflag:s13], $0x1400  }
0x23: {  	[sflag:s13] =	ssyncset.done $0x0  }
0x24: {  	[sflag:s13] =	ssyncadd.s32 $0xFFFFEC00  }
0x25: {  	[bflag:$0x0] =	sbarrier.arrive $0xFFFF  }
0x26: {  	[tilespmem:s17], [sflag:$0x1] =	stream.indirect.gather [spmem:s2], $0x20, s4, s16, $0xb8;
	[tilespmem:$0xE560] =	vst v63  }
0x27: {  	s25 =	simm.s32 $0x80  }
0x28: {  	[tilespmem:s18], [sflag:$0x2] =	stream.indirect.gather [spmem:s2], $0x20, s25, s16, $0xb8;
	[tilespmem:$0xE560] =	vst v63  }
0x29: {  	_ =	swait.ge [sflag:s19], $0xFA0  }
0x2a: {  	[sflag:s19] =	ssyncset.done $0x0  }
0x2b: {  	s29 =	simm.s32 $0x1400;
	[sflag:s19] =	ssyncadd.s32 $0xFFFFF060  }
0x2c: {  	[spmem:s3] =	stream.indirect.scatter.add.bf16 [tilespmem:s17], [sflag:$0x3], $0x20, s29, s16, $0xb8;
	[tilespmem:$0xE560] =	vst v63  }
0x2d: {  	_ =	swait.ge [sflag:s13], $0xFA0  }
0x2e: {  	[sflag:s13] =	ssyncset.done $0x0  }
0x2f: {  	s30 =	simm.s32 $0x100;
	[sflag:s13] =	ssyncadd.s32 $0xFFFFF060  }
0x30: {  	[tilespmem:s17], [sflag:$0x1] =	stream.indirect.gather [spmem:s2], $0x20, s30, s16, $0xb8;
	[tilespmem:$0xE560] =	vst v63  }
0x31: {  	_ =	swait.ge [sflag:s20], $0xFA0  }
0x32: {  	[sflag:s20] =	ssyncset.done $0x0  }
0x33: {  	s31 =	simm.s32 $0x1480;
	[sflag:s20] =	ssyncadd.s32 $0xFFFFF060  }
0x34: {  	[spmem:s3] =	stream.indirect.scatter.add.bf16 [tilespmem:s18], [sflag:$0x3], $0x20, s31, s16, $0xb8;
	[tilespmem:$0xE560] =	vst v63  }
0x35: {  	_ =	swait.ge [sflag:s13], $0xFA0  }
0x36: {  	s26 =	simm.s32 $0x800;
	s25 =	simm.s32 $0x100;
	[sflag:s13] =	ssyncset.done $0x0  }
.LBB2_2:
0x37: {  	s28 =	sadd.s32 $0x80, s25  }
0x38: {  	[sflag:s13] =	ssyncadd.s32 $0xFFFFF060;
	s29 =	smov.u32 s26;
	s30 =	sadd.s32 $0x400, s26  }
0x39: {  	[tilespmem:s18], [sflag:$0x2] =	stream.indirect.gather [spmem:s2], $0x20, s28, s16, $0xb8;
	[tilespmem:$0xE560] =	vst v63  }
0x3a: {  	p0 =	sne.s32 s26, $0x4800;
	_ =	swait.ge [sflag:s19], $0xFA0  }
0x3b: {  	[sflag:s19] =	ssyncset.done $0x0  }
0x3c: {  	s26 =	sadd.s32 $0x1400, s25;
	[sflag:s19] =	ssyncadd.s32 $0xFFFFF060  }
0x3d: {  	[spmem:s3] =	stream.indirect.scatter.add.bf16 [tilespmem:s17], [sflag:$0x3], $0x20, s26, s16, $0xb8;
	[tilespmem:$0xE560] =	vst v63  }
0x3e: {  	_ =	swait.ge [sflag:s13], $0xFA0  }
0x3f: {  	[sflag:s13] =	ssyncset.done $0x0  }
0x40: {  	s26 =	sadd.s32 $0x100, s25;
	[sflag:s13] =	ssyncadd.s32 $0xFFFFF060  }
0x41: {  	[tilespmem:s17], [sflag:$0x1] =	stream.indirect.gather [spmem:s2], $0x20, s26, s16, $0xb8;
	[tilespmem:$0xE560] =	vst v63  }
0x42: {  	_ =	swait.ge [sflag:s20], $0xFA0  }
.Ltmp0:
0x43: {  	[sflag:s20] =	ssyncset.done $0x0;
	(pc) =	sbr.rel @p0 .LBB2_2-.Ltmp0, $4  }
0x44: {  	s25 =	sadd.s32 $0x1480, s25;
	[sflag:s20] =	ssyncadd.s32 $0xFFFFF060  }
0x45: {  	[spmem:s3] =	stream.indirect.scatter.add.bf16 [tilespmem:s18], [sflag:$0x3], $0x20, s25, s16, $0xb8;
	[tilespmem:$0xE560] =	vst v63  }
0x46: {  	_ =	swait.ge [sflag:s13], $0xFA0  }
0x47: {  	s26 =	smov.u32 s30;
	s25 =	sshra.s32 s29, $0x2;
	[sflag:s13] =	ssyncset.done $0x0  }
0x48: {  	s26 =	sadd.s32 $0x80, s25;
	[sflag:s13] =	ssyncadd.s32 $0xFFFFF060  }
0x49: {  	[tilespmem:s18], [sflag:$0x2] =	stream.indirect.gather [spmem:s2], $0x20, s26, s16, $0xb8;
	[tilespmem:$0xE560] =	vst v63  }
0x4a: {  	_ =	swait.ge [sflag:s19], $0xFA0  }
0x4b: {  	[sflag:s19] =	ssyncset.done $0x0  }
0x4c: {  	s29 =	sadd.s32 $0x1400, s25;
	[sflag:s19] =	ssyncadd.s32 $0xFFFFF060  }
0x4d: {  	[spmem:s3] =	stream.indirect.scatter.add.bf16 [tilespmem:s17], [sflag:$0x3], $0x20, s29, s16, $0xb8;
	[tilespmem:$0xE560] =	vst v63  }
0x4e: {  	_ =	swait.ge [sflag:s13], $0xFA0  }
0x4f: {  	[sflag:s13] =	ssyncset.done $0x0  }
0x50: {  	s30 =	sadd.s32 $0x100, s25;
	[sflag:s13] =	ssyncadd.s32 $0xFFFFF060  }
0x51: {  	[tilespmem:s17], [sflag:$0x1] =	stream.indirect.gather [spmem:s2], $0x20, s30, s16, $0xb8;
	[tilespmem:$0xE560] =	vst v63  }
0x52: {  	_ =	swait.ge [sflag:s20], $0xFA0  }
0x53: {  	[sflag:s20] =	ssyncset.done $0x0  }
0x54: {  	s31 =	sadd.s32 $0x1480, s25;
	[sflag:s20] =	ssyncadd.s32 $0xFFFFF060  }
0x55: {  	[spmem:s3] =	stream.indirect.scatter.add.bf16 [tilespmem:s18], [sflag:$0x3], $0x20, s31, s16, $0xb8;
	[tilespmem:$0xE560] =	vst v63  }
0x56: {  	_ =	swait.ge [sflag:s13], $0xFA0  }
0x57: {  	[sflag:s13] =	ssyncset.done $0x0  }
0x58: {  	[sflag:s13] =	ssyncadd.s32 $0xFFFFF060  }
0x59: {  	[tilespmem:s18], [sflag:$0x2] =	stream.indirect.gather [spmem:s2], $0x20, s21, s16, $0xb8;
	[tilespmem:$0xE560] =	vst v63  }
0x5a: {  	_ =	swait.ge [sflag:s19], $0xFA0  }
0x5b: {  	[sflag:s19] =	ssyncset.done $0x0  }
0x5c: {  	[sflag:s19] =	ssyncadd.s32 $0xFFFFF060  }
0x5d: {  	[spmem:s3] =	stream.indirect.scatter.add.bf16 [tilespmem:s17], [sflag:$0x3], $0x20, s22, s16, $0xb8;
	[tilespmem:$0xE560] =	vst v63  }
0x5e: {  	_ =	swait.ge [sflag:s13], $0xFA0  }
0x5f: {  	[sflag:s13] =	ssyncset.done $0x0  }
0x60: {  	[sflag:s13] =	ssyncadd.s32 $0xFFFFF060  }
0x61: {  	_ =	swait.ge [sflag:s20], $0xFA0  }
0x62: {  	[sflag:s20] =	ssyncset.done $0x0  }
0x63: {  	[sflag:s20] =	ssyncadd.s32 $0xFFFFF060  }
0x64: {  	[spmem:s3] =	stream.indirect.scatter.add.bf16 [tilespmem:s18], [sflag:$0x3], $0x20, s23, s16, $0xb8;
	[tilespmem:$0xE560] =	vst v63  }
0x65: {  	_ =	swait.ge [sflag:s13], $0xFA0  }
0x66: {  	s24 =	sadd.s32 $0x1, s24;
	[sflag:s13] =	ssyncset.done $0x0  }
0x67: {  	p0 =	sne.s32 s24, s11;
	[sflag:s13] =	ssyncadd.s32 $0xFFFFF060  }
.Ltmp1:
0x68: {  	[bflag:$0x0] =	sbarrier.arrive $0xFFFF;
	(pc) =	sbr.rel @p0 .LBB2_1-.Ltmp1, $4  }
0x69: {  	[hbm:s10], [sflag:s8] =	dma.local [spmem:s14], $0xA00  }
0x6a: {  	_ =	swait.ge [sflag:s13], $0xA00  }
0x6b: {  	[sflag:s13] =	ssyncset.done $0x0  }
0x6c: {  	[sflag:s13] =	ssyncadd.s32 $0xFFFFF600  }
0x6d: {  	_ =	sfence.sel $0x180000  }
0x6e: {  	[bflag:$0x0] =	sbarrier.arrive $0xFFFF  }
0x6f: {  	p0 =	sne.s32 s1, $0x0;
	_ =	strace $0x90000047  }
0x70: {  	s0 =	sadd.s32 @!p0 $0x100000, s0;
	[bflag:$0x2] =	sbarrier.arrive $0xFFFF  }
0x71: {  	[sflag:s0] =	ssyncadd.tile.s32 @!p0 $0x1;
	_ =	shalt  }
.Lfunc_end2:
_tile_overlayer_lowered:
.L_overlay_start_2:
0x72: {  	(tag) =	ssettag $0x2  }
0x73: {  	s0 =	rddreg [dreg:$0x0];
	s2 =	stileid.u32  }
0x74: {  	s1 =	rddreg [dreg:$0x1];
	p0 =	sne.s32 s2, $0x0  }
0x75: {  	s3 =	rddreg [dreg:$0x2];
	[bflag:$0x3] =	sbarrier.arrive $0xFFFF;
	s2 =	simm.s32 @!p0 $0x1C03  }
0x76: {  	[timem:s3], [sflag:s2] =	dma.local @!p0 [hbm:s0], s1  }
0x77: {  	s0 =	simm.s32 @!p0 $0x3  }
0x78: {  	_ =	swait.ge @!p0 [sflag:s0], s1  }
0x79: {  	s1 =	ssub.s32 @!p0 $0x0, s1;
	[sflag:s0] =	ssyncset.done @!p0 $0x0  }
0x7a: {  	[sflag:s0] =	ssyncadd.s32 @!p0 s1  }
0x7b: {  	[bflag:$0x3] =	sbarrier.arrive $0xFFFF  }
0x7c: {  	_ =	shalt  }

</sc_bundles>
